<compile_context>
chip_gen: v7x
topology: tpu7x:2x2x1
jax: 0.10.2.dev20260603
libtpu: 0.0.44.dev20260713+nightly
codegen_flags: <defaults>
</compile_context>

<pallas_src>
import functools
import jax
import jax.numpy as jnp
from jax import lax
from jax.experimental import pallas as pl
from jax.experimental.pallas import tpu as pltpu
from jax.experimental.pallas import tpu_sc as plsc

N_CODES = 8192
CODE_DIM = 64
BETA = 0.25

N_TOK = 8192
ROW_TILE = 512
K_CHUNK = 2048


def _argmin_body(flat_ref, embed_t_ref, x2_ref, e2_ref, idx_ref):
    xb = flat_ref[...].astype(jnp.bfloat16)
    x2 = x2_ref[...]

    def chunk(k, carry):
        m, bi = carry
        etb = embed_t_ref[:, pl.ds(k * K_CHUNK, K_CHUNK)].astype(jnp.bfloat16)
        e2 = e2_ref[:, pl.ds(k * K_CHUNK, K_CHUNK)]
        dot = jnp.dot(xb, etb, preferred_element_type=jnp.float32)
        dist = (x2 + e2) - 2.0 * dot
        cm = jnp.min(dist, axis=1, keepdims=True)
        iota = lax.broadcasted_iota(jnp.int32, dist.shape, 1) + k * K_CHUNK
        ci = jnp.min(jnp.where(dist == cm, iota, N_CODES), axis=1,
                     keepdims=True)
        take = cm < m
        return jnp.where(take, cm, m), jnp.where(take, ci, bi)

    m0 = jnp.full((ROW_TILE, 1), jnp.inf, jnp.float32)
    i0 = jnp.zeros((ROW_TILE, 1), jnp.int32)
    _, bi = lax.fori_loop(0, N_CODES // K_CHUNK, chunk, (m0, i0))
    idx_ref[...] = bi


def _run_argmin(flat, embed_t, x2, e2):
    grid = N_TOK // ROW_TILE
    return pl.pallas_call(
        _argmin_body,
        grid=(grid,),
        in_specs=[
            pl.BlockSpec((ROW_TILE, CODE_DIM), lambda i: (i, 0)),
            pl.BlockSpec((CODE_DIM, N_CODES), lambda i: (0, 0)),
            pl.BlockSpec((ROW_TILE, 1), lambda i: (i, 0)),
            pl.BlockSpec((1, N_CODES), lambda i: (0, 0)),
        ],
        out_specs=pl.BlockSpec((ROW_TILE, 1), lambda i: (i, 0)),
        out_shape=jax.ShapeDtypeStruct((N_TOK, 1), jnp.int32),
    )(flat, embed_t, x2, e2)


_NC, _NS, _L = 2, 16, 16
_NW = _NC * _NS
_BPW = N_TOK // _NW
_HCH = _BPW // 128


def _sc_gather_hist(embed_hbm, idx_hbm, zq_hbm, cnt_hbm, idx_v, rows_v,
                    cnt_v, sem):
    c = lax.axis_index("c")
    s = lax.axis_index("s")
    wid = s * _NC + c
    base = wid * _BPW

    pltpu.sync_copy(idx_hbm.at[pl.ds(wid * _HCH, _HCH)], idx_v)

    copies = [
        pltpu.async_copy(embed_hbm.at[idx_v.at[j]],
                         rows_v.at[pl.ds(j * 128, 128)], sem)
        for j in range(_HCH)
    ]
    for cp in copies:
        cp.wait()
    pltpu.sync_copy(rows_v, zq_hbm.at[pl.ds(base, _BPW)])

    def zero(i, _):
        cnt_v[pl.ds(i * _L, _L)] = jnp.zeros((_L,), jnp.float32)
        return 0
    lax.fori_loop(0, N_CODES // _L, zero, 0)
    ones = jnp.ones((_L,), jnp.float32)
    for j in range(_HCH):
        for o in range(128 // _L):
            iv = idx_v[j, pl.ds(o * _L, _L)]
            plsc.addupdate_scatter(cnt_v, [iv], ones)
    pltpu.sync_copy(cnt_v, cnt_hbm.at[wid])


def _run_sc(embed, idx_flat):
    idx2d = idx_flat.reshape(_NW * _HCH, 128)
    mesh = plsc.VectorSubcoreMesh(core_axis_name="c", subcore_axis_name="s")
    fn = pl.kernel(
        _sc_gather_hist,
        out_type=[
            jax.ShapeDtypeStruct((N_TOK, CODE_DIM), jnp.float32),
            jax.ShapeDtypeStruct((_NW, N_CODES), jnp.float32),
        ],
        mesh=mesh,
        scratch_types=[
            pltpu.VMEM((_HCH, 128), jnp.int32),
            pltpu.VMEM((_BPW, CODE_DIM), jnp.float32),
            pltpu.VMEM((N_CODES,), jnp.float32),
            pltpu.SemaphoreType.DMA,
        ],
        compiler_params=pltpu.CompilerParams(
            needs_layout_passes=False, use_tc_tiling_on_sc=False),
    )
    return fn(embed, idx2d)


def _finish_body(flat_ref, zq_ref, cnt_ref, zqst_ref, loss_ref, perp_ref):
    x = flat_ref[...]
    q = zq_ref[...]
    zqst_ref[...] = x + (q - x)
    d = x - q
    loss = BETA * (jnp.sum(d * d) / (N_TOK * CODE_DIM))
    loss_ref[...] = jnp.reshape(loss, (1, 1))
    counts = jnp.sum(cnt_ref[...], axis=0, keepdims=True)
    p = counts * (1.0 / N_TOK)
    ent = jnp.sum(p * jnp.log(p + 1e-10))
    perp_ref[...] = jnp.reshape(jnp.exp(-ent), (1, 1))


def _run_finish(flat, zq, cnt):
    return pl.pallas_call(
        _finish_body,
        out_shape=[
            jax.ShapeDtypeStruct((N_TOK, CODE_DIM), jnp.float32),
            jax.ShapeDtypeStruct((1, 1), jnp.float32),
            jax.ShapeDtypeStruct((1, 1), jnp.float32),
        ],
    )(flat, zq, cnt)


@jax.jit
def kernel(z_e, embed):
    B, C, H, W = z_e.shape
    flat = jnp.transpose(z_e, (0, 2, 3, 1)).reshape(-1, C)
    embed_t = embed.T
    x2 = jnp.sum(flat ** 2, axis=1, keepdims=True)
    e2 = jnp.sum(embed ** 2, axis=1, keepdims=True).T

    idx = _run_argmin(flat, embed_t, x2, e2)
    zq, cnt = _run_sc(embed, idx.reshape(-1))
    zqst, loss, perp = _run_finish(flat, zq, cnt)

    z_q_st = jnp.transpose(zqst.reshape(B, H, W, C), (0, 3, 1, 2))
    return (z_q_st, idx.reshape(B, H, W), loss[0, 0], perp[0, 0])

# --- scband reference (transcript-rebuilt; emitter-appended) ---
"""Pipeline reference for scband-vector-quantizer-ema-80908593922423 (READ-ONLY COPY).

The authoritative reference and input builder live on the scoring server;
editing this copy changes nothing except your own understanding.
"""

import jax, jax.numpy as jnp
import numpy as np

N_CODES = 8192
CODE_DIM = 64
BETA = 0.25


def setup_inputs(seed: int = 0) -> dict:
    key = jax.random.key(seed)
    k1, k2 = jax.random.split(key)
    z_e = jax.random.normal(k1, (8, CODE_DIM, 32, 32), dtype=jnp.float32)
    embed = jax.random.normal(k2, (N_CODES, CODE_DIM), dtype=jnp.float32)
    return {"z_e": z_e, "embed": embed}


def reference(z_e, embed):
    B, C, H, W = z_e.shape
    flat = jnp.transpose(z_e, (0, 2, 3, 1)).reshape(-1, C)
    x2 = jnp.sum(flat ** 2, axis=1, keepdims=True)
    e2 = jnp.sum(embed ** 2, axis=1, keepdims=True).T
    distances = x2 + e2 - 2.0 * flat @ embed.T
    indices = jnp.argmin(distances, axis=1)
    encodings = jax.nn.one_hot(indices, N_CODES, dtype=flat.dtype)
    z_q = jnp.transpose((encodings @ embed).reshape(B, H, W, C), (0, 3, 1, 2))
    # eval mode: EMA buffer update skipped (it does not affect returned values within a call)
    commitment_loss = jnp.mean((jax.lax.stop_gradient(z_e) - z_q) ** 2)
    vq_loss = BETA * commitment_loss
    z_q_st = z_e + jax.lax.stop_gradient(z_q - z_e)
    avg_probs = jnp.mean(encodings, axis=0)
    perplexity = jnp.exp(-jnp.sum(avg_probs * jnp.log(avg_probs + 1e-10)))
    return (z_q_st, indices.reshape(B, H, W), vq_loss, perplexity)

if __name__ == "__main__":
    import jax
    _d = setup_inputs()
    print(jax.jit(kernel)(*tuple(_d.values())))

</pallas_src>

<mosaic_0001>
#map = affine_map<(d0, d1) -> (0, 0)>
module attributes {stable_mosaic.version = 14 : i64} {
  func.func @_sc_gather_hist(%arg0: i32, %arg1: i32, %arg2: memref<8192x64xf32, #tpu.memory_space<hbm>>, %arg3: memref<64x128xi32, #tpu.memory_space<hbm>>, %arg4: memref<8192x64xf32, #tpu.memory_space<hbm>>, %arg5: memref<32x8192xf32, #tpu.memory_space<hbm>>, %arg6: memref<2x128xi32, #tpu.memory_space<vmem>>, %arg7: memref<256x64xf32, #tpu.memory_space<vmem>>, %arg8: memref<8192xf32, #tpu.memory_space<vmem>>, %arg9: memref<!tpu.dma_semaphore, #tpu.memory_space<semaphore_mem>>) attributes {dimension_semantics = [#tpu.dimension_semantics<core_parallel>, #tpu.dimension_semantics<subcore_parallel>], iteration_bounds = array<i64: 2, 16>, scalar_prefetch = 0 : i64, scratch_operands = 4 : i64, tpu.core_type = #tpu.core_type<sc_vector_subcore>, window_params = [{transform_indices = #map}, {transform_indices = #map}, {transform_indices = #map}, {transform_indices = #map}]} {
    %mul3A = arith.constant 2 : i32
    %mul3A_0 = arith.muli %arg1, %mul3A : i32
    %add3A = arith.addi %mul3A_0, %arg0 : i32
    %mul3A_1 = arith.constant 256 : i32
    %mul3A_2 = arith.muli %add3A, %mul3A_1 : i32
    %mul3A_3 = arith.constant 2 : i32
    %mul3A_4 = arith.muli %add3A, %mul3A_3 : i32
    "tpu.region"() ({
      %run_scoped3A = tpu.sem_alloc : memref<!tpu.dma_semaphore, #tpu.memory_space<semaphore_mem>>
      %dma_start3A_113 = arith.constant 0 : i32
      %dma_start3A_114 = tpu.memref_slice %arg3[%mul3A_4, %dma_start3A_113] : memref<64x128xi32, #tpu.memory_space<hbm>> -> memref<2x128xi32, #tpu.memory_space<hbm>>
      %dma_start3A_115 = arith.constant 0 : i32
      %dma_start3A_116 = tpu.memref_slice %arg3[%mul3A_4, %dma_start3A_115] : memref<64x128xi32, #tpu.memory_space<hbm>> -> memref<2x128xi32, #tpu.memory_space<hbm>>
      tpu.enqueue_dma source(%dma_start3A_116 : memref<2x128xi32, #tpu.memory_space<hbm>>) target(%arg6 : memref<2x128xi32, #tpu.memory_space<vmem>>) target_semaphore(%run_scoped3A : memref<!tpu.dma_semaphore, #tpu.memory_space<semaphore_mem>>)
      %dma_wait3A_117 = arith.constant 0 : i32
      %dma_wait3A_118 = tpu.memref_slice %arg3[%mul3A_4, %dma_wait3A_117] : memref<64x128xi32, #tpu.memory_space<hbm>> -> memref<2x128xi32, #tpu.memory_space<hbm>>
      %dma_wait3A_119 = arith.constant 0 : i32
      %dma_wait3A_120 = tpu.memref_slice %arg3[%mul3A_4, %dma_wait3A_119] : memref<64x128xi32, #tpu.memory_space<hbm>> -> memref<2x128xi32, #tpu.memory_space<hbm>>
      tpu.wait_dma2 semaphore(%run_scoped3A : memref<!tpu.dma_semaphore, #tpu.memory_space<semaphore_mem>>) src(%dma_wait3A_120 : memref<2x128xi32, #tpu.memory_space<hbm>>) dst(%arg6 : memref<2x128xi32, #tpu.memory_space<vmem>>)
      tpu.yield
    }) : () -> ()
    %dma_start3A = arith.constant 0 : i32
    %dma_start3A_5 = arith.constant 0 : i32
    %dma_start3A_6 = arith.constant 0 : i32
    %dma_start3A_7 = tpu.memref_slice %arg7[%dma_start3A_5, %dma_start3A_6] : memref<256x64xf32, #tpu.memory_space<vmem>> -> memref<128x64xf32, #tpu.memory_space<vmem>>
    %dma_start3A_8 = arith.constant 0 : i32
    %dma_start3A_9 = tpu.memref_slice %arg6[%dma_start3A, %dma_start3A_8] : memref<2x128xi32, #tpu.memory_space<vmem>> -> memref<1x128xi32, #tpu.memory_space<vmem>>
    %dma_start3A_10 = tpu.memref_squeeze %dma_start3A_9 : memref<1x128xi32, #tpu.memory_space<vmem>> -> memref<128xi32, #tpu.memory_space<vmem>>
    %dma_start3A_11 = arith.constant 0 : i32
    %dma_start3A_12 = arith.constant 0 : i32
    %dma_start3A_13 = tpu.memref_slice %arg2[%dma_start3A_11, %dma_start3A_12] : memref<8192x64xf32, #tpu.memory_space<hbm>> -> memref<8192x64xf32, #tpu.memory_space<hbm>>
    tpu.enqueue_indirect_dma source(%dma_start3A_13 : memref<8192x64xf32, #tpu.memory_space<hbm>>) target(%dma_start3A_7 : memref<128x64xf32, #tpu.memory_space<vmem>>) offsets(%dma_start3A_10 : memref<128xi32, #tpu.memory_space<vmem>>) semaphore(%arg9 : memref<!tpu.dma_semaphore, #tpu.memory_space<semaphore_mem>>)
    %dma_start3A_14 = arith.constant 1 : i32
    %dma_start3A_15 = arith.constant 128 : i32
    %dma_start3A_16 = arith.constant 0 : i32
    %dma_start3A_17 = tpu.memref_slice %arg7[%dma_start3A_15, %dma_start3A_16] : memref<256x64xf32, #tpu.memory_space<vmem>> -> memref<128x64xf32, #tpu.memory_space<vmem>>
    %dma_start3A_18 = arith.constant 0 : i32
    %dma_start3A_19 = tpu.memref_slice %arg6[%dma_start3A_14, %dma_start3A_18] : memref<2x128xi32, #tpu.memory_space<vmem>> -> memref<1x128xi32, #tpu.memory_space<vmem>>
    %dma_start3A_20 = tpu.memref_squeeze %dma_start3A_19 : memref<1x128xi32, #tpu.memory_space<vmem>> -> memref<128xi32, #tpu.memory_space<vmem>>
    %dma_start3A_21 = arith.constant 0 : i32
    %dma_start3A_22 = arith.constant 0 : i32
    %dma_start3A_23 = tpu.memref_slice %arg2[%dma_start3A_21, %dma_start3A_22] : memref<8192x64xf32, #tpu.memory_space<hbm>> -> memref<8192x64xf32, #tpu.memory_space<hbm>>
    tpu.enqueue_indirect_dma source(%dma_start3A_23 : memref<8192x64xf32, #tpu.memory_space<hbm>>) target(%dma_start3A_17 : memref<128x64xf32, #tpu.memory_space<vmem>>) offsets(%dma_start3A_20 : memref<128xi32, #tpu.memory_space<vmem>>) semaphore(%arg9 : memref<!tpu.dma_semaphore, #tpu.memory_space<semaphore_mem>>)
    %dma_wait3A = arith.constant 0 : i32
    %dma_wait3A_24 = arith.constant 0 : i32
    %dma_wait3A_25 = arith.constant 0 : i32
    %dma_wait3A_26 = tpu.memref_slice %arg7[%dma_wait3A_24, %dma_wait3A_25] : memref<256x64xf32, #tpu.memory_space<vmem>> -> memref<128x64xf32, #tpu.memory_space<vmem>>
    %dma_wait3A_27 = arith.constant 0 : i32
    %dma_wait3A_28 = tpu.memref_slice %arg6[%dma_wait3A, %dma_wait3A_27] : memref<2x128xi32, #tpu.memory_space<vmem>> -> memref<1x128xi32, #tpu.memory_space<vmem>>
    %dma_wait3A_29 = tpu.memref_squeeze %dma_wait3A_28 : memref<1x128xi32, #tpu.memory_space<vmem>> -> memref<128xi32, #tpu.memory_space<vmem>>
    %dma_wait3A_30 = arith.constant 0 : i32
    %dma_wait3A_31 = arith.constant 0 : i32
    %dma_wait3A_32 = tpu.memref_slice %arg2[%dma_wait3A_30, %dma_wait3A_31] : memref<8192x64xf32, #tpu.memory_space<hbm>> -> memref<8192x64xf32, #tpu.memory_space<hbm>>
    tpu.wait_indirect_dma semaphore(%arg9 : memref<!tpu.dma_semaphore, #tpu.memory_space<semaphore_mem>>) src(%dma_wait3A_32 : memref<8192x64xf32, #tpu.memory_space<hbm>>) dst(%dma_wait3A_26 : memref<128x64xf32, #tpu.memory_space<vmem>>)
    %dma_wait3A_33 = arith.constant 1 : i32
    %dma_wait3A_34 = arith.constant 128 : i32
    %dma_wait3A_35 = arith.constant 0 : i32
    %dma_wait3A_36 = tpu.memref_slice %arg7[%dma_wait3A_34, %dma_wait3A_35] : memref<256x64xf32, #tpu.memory_space<vmem>> -> memref<128x64xf32, #tpu.memory_space<vmem>>
    %dma_wait3A_37 = arith.constant 0 : i32
    %dma_wait3A_38 = tpu.memref_slice %arg6[%dma_wait3A_33, %dma_wait3A_37] : memref<2x128xi32, #tpu.memory_space<vmem>> -> memref<1x128xi32, #tpu.memory_space<vmem>>
    %dma_wait3A_39 = tpu.memref_squeeze %dma_wait3A_38 : memref<1x128xi32, #tpu.memory_space<vmem>> -> memref<128xi32, #tpu.memory_space<vmem>>
    %dma_wait3A_40 = arith.constant 0 : i32
    %dma_wait3A_41 = arith.constant 0 : i32
    %dma_wait3A_42 = tpu.memref_slice %arg2[%dma_wait3A_40, %dma_wait3A_41] : memref<8192x64xf32, #tpu.memory_space<hbm>> -> memref<8192x64xf32, #tpu.memory_space<hbm>>
    tpu.wait_indirect_dma semaphore(%arg9 : memref<!tpu.dma_semaphore, #tpu.memory_space<semaphore_mem>>) src(%dma_wait3A_42 : memref<8192x64xf32, #tpu.memory_space<hbm>>) dst(%dma_wait3A_36 : memref<128x64xf32, #tpu.memory_space<vmem>>)
    "tpu.region"() ({
      %run_scoped3A = tpu.sem_alloc : memref<!tpu.dma_semaphore, #tpu.memory_space<semaphore_mem>>
      %dma_start3A_113 = arith.constant 0 : i32
      %dma_start3A_114 = tpu.memref_slice %arg4[%mul3A_2, %dma_start3A_113] : memref<8192x64xf32, #tpu.memory_space<hbm>> -> memref<256x64xf32, #tpu.memory_space<hbm>>
      %dma_start3A_115 = arith.constant 0 : i32
      %dma_start3A_116 = tpu.memref_slice %arg4[%mul3A_2, %dma_start3A_115] : memref<8192x64xf32, #tpu.memory_space<hbm>> -> memref<256x64xf32, #tpu.memory_space<hbm>>
      tpu.enqueue_dma source(%arg7 : memref<256x64xf32, #tpu.memory_space<vmem>>) target(%dma_start3A_116 : memref<256x64xf32, #tpu.memory_space<hbm>>) target_semaphore(%run_scoped3A : memref<!tpu.dma_semaphore, #tpu.memory_space<semaphore_mem>>)
      %dma_wait3A_117 = arith.constant 0 : i32
      %dma_wait3A_118 = tpu.memref_slice %arg4[%mul3A_2, %dma_wait3A_117] : memref<8192x64xf32, #tpu.memory_space<hbm>> -> memref<256x64xf32, #tpu.memory_space<hbm>>
      %dma_wait3A_119 = arith.constant 0 : i32
      %dma_wait3A_120 = tpu.memref_slice %arg4[%mul3A_2, %dma_wait3A_119] : memref<8192x64xf32, #tpu.memory_space<hbm>> -> memref<256x64xf32, #tpu.memory_space<hbm>>
      tpu.wait_dma2 semaphore(%run_scoped3A : memref<!tpu.dma_semaphore, #tpu.memory_space<semaphore_mem>>) src(%arg7 : memref<256x64xf32, #tpu.memory_space<vmem>>) dst(%dma_wait3A_120 : memref<256x64xf32, #tpu.memory_space<hbm>>)
      tpu.yield
    }) : () -> ()
    %scan3A = arith.constant 0 : i32
    %scan3A_43 = arith.constant 0 : i32
    %scan3A_44 = arith.constant 512 : i32
    %scan3A_45 = arith.addi %scan3A_43, %scan3A_44 : i32
    %scan3A_46 = arith.constant 1 : i32
    %scan3A_47 = scf.for %scan3A_113 = %scan3A_43 to %scan3A_45 step %scan3A_46 iter_args(%scan3A_114 = %scan3A) -> (i32)  : i32 {
      %broadcast_in_dim3A_115 = arith.constant 0.000000e+00 : f32
      %broadcast_in_dim3A_116 = vector.broadcast %broadcast_in_dim3A_115 : f32 to vector<16xf32>
      %mul3A_117 = arith.constant 16 : i32
      %mul3A_118 = arith.muli %scan3A_113, %mul3A_117 : i32
      %swap3A = arith.index_cast %mul3A_118 : i32 to index
      %swap3A_119 = tpu.vector_load %arg8[%swap3A] {strides = array<i32>} : memref<8192xf32, #tpu.memory_space<vmem>>, vector<16xf32>,
      tpu.vector_store %arg8[%swap3A], %broadcast_in_dim3A_116 {strides = array<i32>} : memref<8192xf32, #tpu.memory_space<vmem>>, vector<16xf32>,
      %scan3A_120 = arith.constant 0 : i32
      scf.yield %scan3A_120 : i32
    }
    %scan3A_48 = arith.constant 512 : i32
    %broadcast_in_dim3A = arith.constant 1.000000e+00 : f32
    %broadcast_in_dim3A_49 = vector.broadcast %broadcast_in_dim3A : f32 to vector<16xf32>
    %get3A = arith.constant 0 : i32
    %get3A_50 = arith.index_cast %get3A : i32 to index
    %get3A_51 = arith.constant 0 : index
    %get3A_52 = tpu.vector_load %arg6[%get3A_50, %get3A_51] {strides = array<i32>} : memref<2x128xi32, #tpu.memory_space<vmem>>, vector<16xi32>,
    tpu.vector_store_idx %arg8[%get3A_52], %broadcast_in_dim3A_49 {add = true} : memref<8192xf32, #tpu.memory_space<vmem>>[vector<16xi32>], vector<16xf32>,
    %get3A_53 = arith.constant 0 : i32
    %get3A_54 = arith.index_cast %get3A_53 : i32 to index
    %get3A_55 = arith.constant 16 : index
    %get3A_56 = tpu.vector_load %arg6[%get3A_54, %get3A_55] {strides = array<i32>} : memref<2x128xi32, #tpu.memory_space<vmem>>, vector<16xi32>,
    tpu.vector_store_idx %arg8[%get3A_56], %broadcast_in_dim3A_49 {add = true} : memref<8192xf32, #tpu.memory_space<vmem>>[vector<16xi32>], vector<16xf32>,
    %get3A_57 = arith.constant 0 : i32
    %get3A_58 = arith.index_cast %get3A_57 : i32 to index
    %get3A_59 = arith.constant 32 : index
    %get3A_60 = tpu.vector_load %arg6[%get3A_58, %get3A_59] {strides = array<i32>} : memref<2x128xi32, #tpu.memory_space<vmem>>, vector<16xi32>,
    tpu.vector_store_idx %arg8[%get3A_60], %broadcast_in_dim3A_49 {add = true} : memref<8192xf32, #tpu.memory_space<vmem>>[vector<16xi32>], vector<16xf32>,
    %get3A_61 = arith.constant 0 : i32
    %get3A_62 = arith.index_cast %get3A_61 : i32 to index
    %get3A_63 = arith.constant 48 : index
    %get3A_64 = tpu.vector_load %arg6[%get3A_62, %get3A_63] {strides = array<i32>} : memref<2x128xi32, #tpu.memory_space<vmem>>, vector<16xi32>,
    tpu.vector_store_idx %arg8[%get3A_64], %broadcast_in_dim3A_49 {add = true} : memref<8192xf32, #tpu.memory_space<vmem>>[vector<16xi32>], vector<16xf32>,
    %get3A_65 = arith.constant 0 : i32
    %get3A_66 = arith.index_cast %get3A_65 : i32 to index
    %get3A_67 = arith.constant 64 : index
    %get3A_68 = tpu.vector_load %arg6[%get3A_66, %get3A_67] {strides = array<i32>} : memref<2x128xi32, #tpu.memory_space<vmem>>, vector<16xi32>,
    tpu.vector_store_idx %arg8[%get3A_68], %broadcast_in_dim3A_49 {add = true} : memref<8192xf32, #tpu.memory_space<vmem>>[vector<16xi32>], vector<16xf32>,
    %get3A_69 = arith.constant 0 : i32
    %get3A_70 = arith.index_cast %get3A_69 : i32 to index
    %get3A_71 = arith.constant 80 : index
    %get3A_72 = tpu.vector_load %arg6[%get3A_70, %get3A_71] {strides = array<i32>} : memref<2x128xi32, #tpu.memory_space<vmem>>, vector<16xi32>,
    tpu.vector_store_idx %arg8[%get3A_72], %broadcast_in_dim3A_49 {add = true} : memref<8192xf32, #tpu.memory_space<vmem>>[vector<16xi32>], vector<16xf32>,
    %get3A_73 = arith.constant 0 : i32
    %get3A_74 = arith.index_cast %get3A_73 : i32 to index
    %get3A_75 = arith.constant 96 : index
    %get3A_76 = tpu.vector_load %arg6[%get3A_74, %get3A_75] {strides = array<i32>} : memref<2x128xi32, #tpu.memory_space<vmem>>, vector<16xi32>,
    tpu.vector_store_idx %arg8[%get3A_76], %broadcast_in_dim3A_49 {add = true} : memref<8192xf32, #tpu.memory_space<vmem>>[vector<16xi32>], vector<16xf32>,
    %get3A_77 = arith.constant 0 : i32
    %get3A_78 = arith.index_cast %get3A_77 : i32 to index
    %get3A_79 = arith.constant 112 : index
    %get3A_80 = tpu.vector_load %arg6[%get3A_78, %get3A_79] {strides = array<i32>} : memref<2x128xi32, #tpu.memory_space<vmem>>, vector<16xi32>,
    tpu.vector_store_idx %arg8[%get3A_80], %broadcast_in_dim3A_49 {add = true} : memref<8192xf32, #tpu.memory_space<vmem>>[vector<16xi32>], vector<16xf32>,
    %get3A_81 = arith.constant 1 : i32
    %get3A_82 = arith.index_cast %get3A_81 : i32 to index
    %get3A_83 = arith.constant 0 : index
    %get3A_84 = tpu.vector_load %arg6[%get3A_82, %get3A_83] {strides = array<i32>} : memref<2x128xi32, #tpu.memory_space<vmem>>, vector<16xi32>,
    tpu.vector_store_idx %arg8[%get3A_84], %broadcast_in_dim3A_49 {add = true} : memref<8192xf32, #tpu.memory_space<vmem>>[vector<16xi32>], vector<16xf32>,
    %get3A_85 = arith.constant 1 : i32
    %get3A_86 = arith.index_cast %get3A_85 : i32 to index
    %get3A_87 = arith.constant 16 : index
    %get3A_88 = tpu.vector_load %arg6[%get3A_86, %get3A_87] {strides = array<i32>} : memref<2x128xi32, #tpu.memory_space<vmem>>, vector<16xi32>,
    tpu.vector_store_idx %arg8[%get3A_88], %broadcast_in_dim3A_49 {add = true} : memref<8192xf32, #tpu.memory_space<vmem>>[vector<16xi32>], vector<16xf32>,
    %get3A_89 = arith.constant 1 : i32
    %get3A_90 = arith.index_cast %get3A_89 : i32 to index
    %get3A_91 = arith.constant 32 : index
    %get3A_92 = tpu.vector_load %arg6[%get3A_90, %get3A_91] {strides = array<i32>} : memref<2x128xi32, #tpu.memory_space<vmem>>, vector<16xi32>,
    tpu.vector_store_idx %arg8[%get3A_92], %broadcast_in_dim3A_49 {add = true} : memref<8192xf32, #tpu.memory_space<vmem>>[vector<16xi32>], vector<16xf32>,
    %get3A_93 = arith.constant 1 : i32
    %get3A_94 = arith.index_cast %get3A_93 : i32 to index
    %get3A_95 = arith.constant 48 : index
    %get3A_96 = tpu.vector_load %arg6[%get3A_94, %get3A_95] {strides = array<i32>} : memref<2x128xi32, #tpu.memory_space<vmem>>, vector<16xi32>,
    tpu.vector_store_idx %arg8[%get3A_96], %broadcast_in_dim3A_49 {add = true} : memref<8192xf32, #tpu.memory_space<vmem>>[vector<16xi32>], vector<16xf32>,
    %get3A_97 = arith.constant 1 : i32
    %get3A_98 = arith.index_cast %get3A_97 : i32 to index
    %get3A_99 = arith.constant 64 : index
    %get3A_100 = tpu.vector_load %arg6[%get3A_98, %get3A_99] {strides = array<i32>} : memref<2x128xi32, #tpu.memory_space<vmem>>, vector<16xi32>,
    tpu.vector_store_idx %arg8[%get3A_100], %broadcast_in_dim3A_49 {add = true} : memref<8192xf32, #tpu.memory_space<vmem>>[vector<16xi32>], vector<16xf32>,
    %get3A_101 = arith.constant 1 : i32
    %get3A_102 = arith.index_cast %get3A_101 : i32 to index
    %get3A_103 = arith.constant 80 : index
    %get3A_104 = tpu.vector_load %arg6[%get3A_102, %get3A_103] {strides = array<i32>} : memref<2x128xi32, #tpu.memory_space<vmem>>, vector<16xi32>,
    tpu.vector_store_idx %arg8[%get3A_104], %broadcast_in_dim3A_49 {add = true} : memref<8192xf32, #tpu.memory_space<vmem>>[vector<16xi32>], vector<16xf32>,
    %get3A_105 = arith.constant 1 : i32
    %get3A_106 = arith.index_cast %get3A_105 : i32 to index
    %get3A_107 = arith.constant 96 : index
    %get3A_108 = tpu.vector_load %arg6[%get3A_106, %get3A_107] {strides = array<i32>} : memref<2x128xi32, #tpu.memory_space<vmem>>, vector<16xi32>,
    tpu.vector_store_idx %arg8[%get3A_108], %broadcast_in_dim3A_49 {add = true} : memref<8192xf32, #tpu.memory_space<vmem>>[vector<16xi32>], vector<16xf32>,
    %get3A_109 = arith.constant 1 : i32
    %get3A_110 = arith.index_cast %get3A_109 : i32 to index
    %get3A_111 = arith.constant 112 : index
    %get3A_112 = tpu.vector_load %arg6[%get3A_110, %get3A_111] {strides = array<i32>} : memref<2x128xi32, #tpu.memory_space<vmem>>, vector<16xi32>,
    tpu.vector_store_idx %arg8[%get3A_112], %broadcast_in_dim3A_49 {add = true} : memref<8192xf32, #tpu.memory_space<vmem>>[vector<16xi32>], vector<16xf32>,
    "tpu.region"() ({
      %run_scoped3A = tpu.sem_alloc : memref<!tpu.dma_semaphore, #tpu.memory_space<semaphore_mem>>
      %dma_start3A_113 = arith.constant 0 : i32
      %dma_start3A_114 = tpu.memref_slice %arg5[%add3A, %dma_start3A_113] : memref<32x8192xf32, #tpu.memory_space<hbm>> -> memref<1x8192xf32, #tpu.memory_space<hbm>>
      %dma_start3A_115 = tpu.memref_squeeze %dma_start3A_114 : memref<1x8192xf32, #tpu.memory_space<hbm>> -> memref<8192xf32, #tpu.memory_space<hbm>>
      %dma_start3A_116 = arith.constant 0 : i32
      %dma_start3A_117 = tpu.memref_slice %arg5[%add3A, %dma_start3A_116] : memref<32x8192xf32, #tpu.memory_space<hbm>> -> memref<1x8192xf32, #tpu.memory_space<hbm>>
      %dma_start3A_118 = tpu.memref_squeeze %dma_start3A_117 : memref<1x8192xf32, #tpu.memory_space<hbm>> -> memref<8192xf32, #tpu.memory_space<hbm>>
      tpu.enqueue_dma source(%arg8 : memref<8192xf32, #tpu.memory_space<vmem>>) target(%dma_start3A_118 : memref<8192xf32, #tpu.memory_space<hbm>>) target_semaphore(%run_scoped3A : memref<!tpu.dma_semaphore, #tpu.memory_space<semaphore_mem>>)
      %dma_wait3A_119 = arith.constant 0 : i32
      %dma_wait3A_120 = tpu.memref_slice %arg5[%add3A, %dma_wait3A_119] : memref<32x8192xf32, #tpu.memory_space<hbm>> -> memref<1x8192xf32, #tpu.memory_space<hbm>>
      %dma_wait3A_121 = tpu.memref_squeeze %dma_wait3A_120 : memref<1x8192xf32, #tpu.memory_space<hbm>> -> memref<8192xf32, #tpu.memory_space<hbm>>
      %dma_wait3A_122 = arith.constant 0 : i32
      %dma_wait3A_123 = tpu.memref_slice %arg5[%add3A, %dma_wait3A_122] : memref<32x8192xf32, #tpu.memory_space<hbm>> -> memref<1x8192xf32, #tpu.memory_space<hbm>>
      %dma_wait3A_124 = tpu.memref_squeeze %dma_wait3A_123 : memref<1x8192xf32, #tpu.memory_space<hbm>> -> memref<8192xf32, #tpu.memory_space<hbm>>
      tpu.wait_dma2 semaphore(%run_scoped3A : memref<!tpu.dma_semaphore, #tpu.memory_space<semaphore_mem>>) src(%arg8 : memref<8192xf32, #tpu.memory_space<vmem>>) dst(%dma_wait3A_124 : memref<8192xf32, #tpu.memory_space<hbm>>)
      tpu.yield
    }) : () -> ()
    return
  }
}

module attributes {stable_mosaic.version = 14 : i64} {
  func.func @_argmin_body(%arg0: i32, %arg1: memref<512x64xf32, #tpu.memory_space<vmem>>, %arg2: memref<64x8192xf32, #tpu.memory_space<vmem>>, %arg3: memref<512x1xf32, #tpu.memory_space<vmem>>, %arg4: memref<1x8192xf32, #tpu.memory_space<vmem>>, %arg5: memref<512x1xi32, #tpu.memory_space<vmem>>) attributes {dimension_semantics = [#tpu.dimension_semantics<arbitrary>], iteration_bounds = array<i64: 16>, scalar_prefetch = 0 : i64, scratch_operands = 0 : i64, tpu.core_type = #tpu.core_type<tc>, window_params = [{transform_indices = @transform_0, window_bounds = array<i64: 512, 64>}, {pipeline_mode = #tpu.pipeline_mode<synchronous>, transform_indices = @transform_1, window_bounds = array<i64: 64, 8192>}, {transform_indices = @transform_2, window_bounds = array<i64: 512, 1>}, {pipeline_mode = #tpu.pipeline_mode<synchronous>, transform_indices = @transform_3, window_bounds = array<i64: 1, 8192>}, {transform_indices = @transform_4, window_bounds = array<i64: 512, 1>}]} {
    %get3A = arith.constant 0 : index
    %get3A_0 = arith.constant 0 : index
    %get3A_1 = vector.load %arg1[%get3A, %get3A_0] : memref<512x64xf32, #tpu.memory_space<vmem>>, vector<512x64xf32>
    %convert_element_type3A = arith.truncf %get3A_1 : vector<512x64xf32> to vector<512x64xbf16>
    %get3A_2 = arith.constant 0 : index
    %get3A_3 = arith.constant 0 : index
    %get3A_4 = vector.load %arg3[%get3A_2, %get3A_3] : memref<512x1xf32, #tpu.memory_space<vmem>>, vector<512x1xf32>
    %broadcast_in_dim3A = arith.constant 0x7F800000 : f32
    %broadcast_in_dim3A_5 = vector.broadcast %broadcast_in_dim3A : f32 to vector<512x1xf32>
    %broadcast_in_dim3A_6 = arith.constant 0 : i32
    %broadcast_in_dim3A_7 = vector.broadcast %broadcast_in_dim3A_6 : i32 to vector<512x1xi32>
    %scan3A = arith.constant 0 : i32
    %scan3A_8 = arith.constant 4 : i32
    %scan3A_9 = arith.addi %scan3A, %scan3A_8 : i32
    %scan3A_10 = arith.constant 1 : i32
    %scan3A_11:2 = scf.for %scan3A_15 = %scan3A to %scan3A_9 step %scan3A_10 iter_args(%scan3A_16 = %broadcast_in_dim3A_5, %scan3A_17 = %broadcast_in_dim3A_7) -> (vector<512x1xf32>, vector<512x1xi32>)  : i32 {
      %mul3A = arith.constant 2048 : i32
      %mul3A_18 = arith.muli %scan3A_15, %mul3A : i32
      %get3A_19 = arith.constant 0 : index
      %get3A_20 = arith.index_cast %mul3A_18 : i32 to index
      %get3A_21 = vector.load %arg2[%get3A_19, %get3A_20] : memref<64x8192xf32, #tpu.memory_space<vmem>>, vector<64x2048xf32>
      %convert_element_type3A_22 = arith.truncf %get3A_21 : vector<64x2048xf32> to vector<64x2048xbf16>
      %mul3A_23 = arith.constant 2048 : i32
      %mul3A_24 = arith.muli %scan3A_15, %mul3A_23 : i32
      %get3A_25 = arith.constant 0 : index
      %get3A_26 = arith.index_cast %mul3A_24 : i32 to index
      %get3A_27 = vector.load %arg4[%get3A_25, %get3A_26] : memref<1x8192xf32, #tpu.memory_space<vmem>>, vector<1x2048xf32>
      %dot_general3A = arith.constant dense<0.000000e+00> : vector<512x2048xf32>
      %dot_general3A_28 = tpu.matmul %convert_element_type3A, %convert_element_type3A_22, %dot_general3A {dimension_numbers = #tpu.dot_dimension_numbers<[1], [0], [0], [1], [0, 0, 1, 1], [], []>, transpose_lhs_hint = false} : vector<512x64xbf16>, vector<64x2048xbf16>, vector<512x2048xf32> -> vector<512x2048xf32>
      %add3A = vector.broadcast %get3A_4 : vector<512x1xf32> to vector<512x2048xf32>
      %add3A_29 = vector.broadcast %get3A_27 : vector<1x2048xf32> to vector<512x2048xf32>
      %add3A_30 = arith.addf %add3A, %add3A_29 : vector<512x2048xf32>
      %mul3A_31 = arith.constant 2.000000e+00 : f32
      %mul3A_32 = vector.broadcast %mul3A_31 : f32 to vector<512x2048xf32>
      %mul3A_33 = arith.mulf %mul3A_32, %dot_general3A_28 : vector<512x2048xf32>
      %sub3A = arith.subf %add3A_30, %mul3A_33 : vector<512x2048xf32>
      %reduce_min3A = arith.constant dense<0x7F800000> : vector<512xf32>
      %reduce_min3A_34 = vector.multi_reduction <minimumf>, %sub3A, %reduce_min3A [1] : vector<512x2048xf32> to vector<512xf32>
      %broadcast_in_dim3A_35 = vector.shape_cast %reduce_min3A_34 : vector<512xf32> to vector<512x1xf32>
      %iota3A = tpu.iota {dimensions = array<i32: 1>} : vector<512x2048xi32>
      %mul3A_36 = arith.constant 2048 : i32
      %mul3A_37 = arith.muli %scan3A_15, %mul3A_36 : i32
      %add3A_38 = vector.broadcast %mul3A_37 : i32 to vector<512x2048xi32>
      %add3A_39 = arith.addi %iota3A, %add3A_38 : vector<512x2048xi32>
      %eq3A = vector.broadcast %broadcast_in_dim3A_35 : vector<512x1xf32> to vector<512x2048xf32>
      %eq3A_40 = arith.cmpf oeq, %sub3A, %eq3A : vector<512x2048xf32>
      %jit3A = arith.constant 8192 : i32
      %broadcast_in_dim3A_41 = vector.broadcast %jit3A : i32 to vector<512x2048xi32>
      %select_n3A = arith.select %eq3A_40, %add3A_39, %broadcast_in_dim3A_41 : vector<512x2048xi1>, vector<512x2048xi32>
      %reduce_min3A_42 = arith.constant dense<2147483647> : vector<512xi32>
      %reduce_min3A_43 = vector.multi_reduction <minsi>, %select_n3A, %reduce_min3A_42 [1] : vector<512x2048xi32> to vector<512xi32>
      %broadcast_in_dim3A_44 = vector.shape_cast %reduce_min3A_43 : vector<512xi32> to vector<512x1xi32>
      %lt3A = arith.cmpf olt, %broadcast_in_dim3A_35, %scan3A_16 : vector<512x1xf32>
      %select_n3A_45 = arith.select %lt3A, %broadcast_in_dim3A_35, %scan3A_16 : vector<512x1xi1>, vector<512x1xf32>
      %select_n3A_46 = arith.select %lt3A, %broadcast_in_dim3A_44, %scan3A_17 : vector<512x1xi1>, vector<512x1xi32>
      scf.yield %select_n3A_45, %select_n3A_46 : vector<512x1xf32>, vector<512x1xi32>
    }
    %scan3A_12 = arith.constant 4 : i32
    %swap3A = arith.constant 0 : index
    %swap3A_13 = arith.constant 0 : index
    %swap3A_14 = vector.load %arg5[%swap3A, %swap3A_13] : memref<512x1xi32, #tpu.memory_space<vmem>>, vector<512x1xi32>
    tpu.vector_store %arg5[%swap3A, %swap3A_13], %scan3A_11#1 {strides = array<i32>} : memref<512x1xi32, #tpu.memory_space<vmem>>, vector<512x1xi32>,
    return
  }
  func.func @transform_0(%arg0: i32) -> (i32, i32) {
    %c0_i32 = arith.constant 0 : i32
    %c0_i32_0 = arith.constant 0 : i32
    return %arg0, %c0_i32 : i32, i32
  }
  func.func @transform_1(%arg0: i32) -> (i32, i32) {
    %c0_i32 = arith.constant 0 : i32
    %c0_i32_0 = arith.constant 0 : i32
    %c0_i32_1 = arith.constant 0 : i32
    return %c0_i32, %c0_i32_0 : i32, i32
  }
  func.func @transform_2(%arg0: i32) -> (i32, i32) {
    %c0_i32 = arith.constant 0 : i32
    %c0_i32_0 = arith.constant 0 : i32
    return %arg0, %c0_i32 : i32, i32
  }
  func.func @transform_3(%arg0: i32) -> (i32, i32) {
    %c0_i32 = arith.constant 0 : i32
    %c0_i32_0 = arith.constant 0 : i32
    %c0_i32_1 = arith.constant 0 : i32
    return %c0_i32, %c0_i32_0 : i32, i32
  }
  func.func @transform_4(%arg0: i32) -> (i32, i32) {
    %c0_i32 = arith.constant 0 : i32
    %c0_i32_0 = arith.constant 0 : i32
    return %arg0, %c0_i32 : i32, i32
  }
}

module attributes {stable_mosaic.version = 14 : i64} {
  func.func @_finish_body(%arg0: memref<8192x64xf32, #tpu.memory_space<vmem>>, %arg1: memref<8192x64xf32, #tpu.memory_space<vmem>>, %arg2: memref<32x8192xf32, #tpu.memory_space<vmem>>, %arg3: memref<8192x64xf32, #tpu.memory_space<vmem>>, %arg4: memref<1x1xf32, #tpu.memory_space<vmem>>, %arg5: memref<1x1xf32, #tpu.memory_space<vmem>>) attributes {dimension_semantics = [], scalar_prefetch = 0 : i64, scratch_operands = 0 : i64, tpu.core_type = #tpu.core_type<tc>} {
    %get3A = arith.constant 0 : index
    %get3A_0 = arith.constant 0 : index
    %get3A_1 = vector.load %arg0[%get3A, %get3A_0] : memref<8192x64xf32, #tpu.memory_space<vmem>>, vector<8192x64xf32>
    %get3A_2 = arith.constant 0 : index
    %get3A_3 = arith.constant 0 : index
    %get3A_4 = vector.load %arg1[%get3A_2, %get3A_3] : memref<8192x64xf32, #tpu.memory_space<vmem>>, vector<8192x64xf32>
    %sub3A = arith.subf %get3A_4, %get3A_1 : vector<8192x64xf32>
    %add3A = arith.addf %get3A_1, %sub3A : vector<8192x64xf32>
    %swap3A = arith.constant 0 : index
    %swap3A_5 = arith.constant 0 : index
    %swap3A_6 = vector.load %arg3[%swap3A, %swap3A_5] : memref<8192x64xf32, #tpu.memory_space<vmem>>, vector<8192x64xf32>
    tpu.vector_store %arg3[%swap3A, %swap3A_5], %add3A {strides = array<i32>} : memref<8192x64xf32, #tpu.memory_space<vmem>>, vector<8192x64xf32>,
    %sub3A_7 = arith.subf %get3A_1, %get3A_4 : vector<8192x64xf32>
    %mul3A = arith.mulf %sub3A_7, %sub3A_7 : vector<8192x64xf32>
    %reduce_sum3A = vector.shape_cast %mul3A : vector<8192x64xf32> to vector<1x8192x64xf32>
    %reduce_sum3A_8 = arith.constant dense<0.000000e+00> : vector<1xf32>
    %reduce_sum3A_9 = vector.multi_reduction <add>, %reduce_sum3A, %reduce_sum3A_8 [1, 2] : vector<1x8192x64xf32> to vector<1xf32>
    %reduce_sum3A_10 = vector.shape_cast %reduce_sum3A_9 : vector<1xf32> to vector<1x1x1xf32>
    %reduce_sum3A_11 = vector.extract %reduce_sum3A_10[0, 0, 0] : f32 from vector<1x1x1xf32>
    %div3A = arith.constant 5.242880e+05 : f32
    %div3A_12 = arith.divf %reduce_sum3A_11, %div3A : f32
    %mul3A_13 = arith.constant 2.500000e-01 : f32
    %mul3A_14 = arith.mulf %mul3A_13, %div3A_12 : f32
    %reshape3A = vector.broadcast %mul3A_14 : f32 to vector<1x1xf32>
    %swap3A_15 = arith.constant 0 : index
    %swap3A_16 = arith.constant 0 : index
    %swap3A_17 = vector.load %arg4[%swap3A_15, %swap3A_16] : memref<1x1xf32, #tpu.memory_space<vmem>>, vector<1x1xf32>
    tpu.vector_store %arg4[%swap3A_15, %swap3A_16], %reshape3A {strides = array<i32>} : memref<1x1xf32, #tpu.memory_space<vmem>>, vector<1x1xf32>,
    %get3A_18 = arith.constant 0 : index
    %get3A_19 = arith.constant 0 : index
    %get3A_20 = vector.load %arg2[%get3A_18, %get3A_19] : memref<32x8192xf32, #tpu.memory_space<vmem>>, vector<32x8192xf32>
    %reduce_sum3A_21 = arith.constant dense<0.000000e+00> : vector<8192xf32>
    %reduce_sum3A_22 = vector.multi_reduction <add>, %get3A_20, %reduce_sum3A_21 [0] : vector<32x8192xf32> to vector<8192xf32>
    %broadcast_in_dim3A = vector.shape_cast %reduce_sum3A_22 : vector<8192xf32> to vector<1x8192xf32>
    %mul3A_23 = arith.constant 1.22070313E-4 : f32
    %mul3A_24 = vector.broadcast %mul3A_23 : f32 to vector<1x8192xf32>
    %mul3A_25 = arith.mulf %broadcast_in_dim3A, %mul3A_24 : vector<1x8192xf32>
    %add3A_26 = arith.constant 1.000000e-10 : f32
    %add3A_27 = vector.broadcast %add3A_26 : f32 to vector<1x8192xf32>
    %add3A_28 = arith.addf %mul3A_25, %add3A_27 : vector<1x8192xf32>
    %log3A = math.log %add3A_28 : vector<1x8192xf32>
    %mul3A_29 = arith.mulf %mul3A_25, %log3A : vector<1x8192xf32>
    %reduce_sum3A_30 = vector.shape_cast %mul3A_29 : vector<1x8192xf32> to vector<1x1x8192xf32>
    %reduce_sum3A_31 = arith.constant dense<0.000000e+00> : vector<1xf32>
    %reduce_sum3A_32 = vector.multi_reduction <add>, %reduce_sum3A_30, %reduce_sum3A_31 [1, 2] : vector<1x1x8192xf32> to vector<1xf32>
    %reduce_sum3A_33 = vector.shape_cast %reduce_sum3A_32 : vector<1xf32> to vector<1x1x1xf32>
    %reduce_sum3A_34 = vector.extract %reduce_sum3A_33[0, 0, 0] : f32 from vector<1x1x1xf32>
    %neg3A = arith.constant 0.000000e+00 : f32
    %neg3A_35 = arith.subf %neg3A, %reduce_sum3A_34 : f32
    %exp3A = math.exp %neg3A_35 : f32
    %reshape3A_36 = vector.broadcast %exp3A : f32 to vector<1x1xf32>
    %swap3A_37 = arith.constant 0 : index
    %swap3A_38 = arith.constant 0 : index
    %swap3A_39 = vector.load %arg5[%swap3A_37, %swap3A_38] : memref<1x1xf32, #tpu.memory_space<vmem>>, vector<1x1xf32>
    tpu.vector_store %arg5[%swap3A_37, %swap3A_38], %reshape3A_36 {strides = array<i32>} : memref<1x1xf32, #tpu.memory_space<vmem>>, vector<1x1xf32>,
    return
  }
}

</mosaic_0001>

<sc_bundles>
// kernel: kernel.5.cloned.1.call-start
scs
__scs_entry_jumppad:
0x0: {  	(pc) =	sbr.rel $0x88, $3  }
0x1: {  	(tag) =	ssettag $0x0;
	lr =	simm.s32 $0x1  }
0x2: {  	[smem:$0x3F9F] =	sst lr;
	_ =	strace $0xD0000000  }
0x3: {  	_ = 	snop  }
0x4: {  	_ = 	snop  }
0x5: {  	_ = 	snop  }
0x6: {  	_ = 	snop  }
0x7: {  	_ = 	snop  }
__scs_overlays_trampoline_lowered:
0x8: {  	[smem:$0x3FAE] =	sst s0  }
0x9: {  	[smem:$0x3FAF] =	sst s1  }
0xa: {  	[smem:$0x3FB0] =	sst s2  }
0xb: {  	[smem:$0x3FB1] =	sst s3  }
0xc: {  	[smem:$0x3FB2] =	sst s4  }
0xd: {  	[smem:$0x3FB3] =	sst s5  }
0xe: {  	[smem:$0x3FB4] =	sst s6  }
0xf: {  	[smem:$0x3FB5] =	sst s7  }
0x10: {  	[smem:$0x3FB6] =	sst s8  }
0x11: {  	[smem:$0x3FB7] =	sst s9;
	s0 =	simm.s32 @!p0 $0x0  }
0x12: {  	s1 =	sld [smem:$0x3F9D];
	s0 =	simm.s32 @p0 $0x1  }
0x13: {  	[smem:$0x3FB8] =	sst s0;
	s0 =	simm.s32 @!p1 $0x0  }
0x14: {  	s2 =	sld [smem:$0x3F9C];
	s0 =	simm.s32 @p1 $0x1  }
0x15: {  	[smem:$0x3FB9] =	sst s0;
	s0 =	simm.s32 @!p2 $0x0  }
0x16: {  	s3 =	sld [smem:$0x3FDB];
	s0 =	simm.s32 @p2 $0x1  }
0x17: {  	s4 =	simm.s32 $0x1BF5;
	[smem:$0x3FBB] =	sst s0  }
0x18: {  	s0 =	sld [smem:$0x3F9E];
	_ =	swait.ge [sflag:s4], $0x0  }
0x19: {  	s7 =	sld [smem:$0x3F9F]  }
0x1a: {  	s8 =	sadd.s32 $0xFFFFE003, lr  }
0x1b: {  	s9 =	sadd.s32 $0xFFFFFEF7, lr;
	s5 =	simm.s32 $0xFFFFFFFF;
	p2 =	slt.u32 s8, $0xFFFFF086  }
0x1c: {  	p1 =	slt.u32 s9, $0xF7A;
	s5 =	simm.s32 @!p2 $0x0  }
0x1d: {  	s5 =	simm.s32 @p1 $0x1;
	p0 =	seq.s32 s7, s2  }
0x1e: {  	s7 =	smul.u32 @!p0 $0xF7A, s2;
	p2 =	seq.s32 @!p0 s5, $0x0  }
0x1f: {  	s9 =	smul.u32 $0xF7A, s1;
	s8 =	simm.s32 @!p0 $0x1BF5;
	p2 =	por !p2, p0  }
0x20: {  	[sflag:s8] =	ssyncset.s32 @!p0 $0xFFFFF086;
	s6 =	sadd.s32 @!p0 s3, s7;
	s7 =	simm.s32 @!p0 $0x108  }
0x21: {  	s3 =	sadd.s32 s3, s9;
	s6 =	sadd.s32 @!p0 $0x88, s6;
	s7 =	simm.s32 @p2 $0x1082  }
0x22: {  	[simem:s7], [sflag:s8] =	dma.local @!p0 [hbm:s6], $0xF7A  }
0x23: {  	s9 =	sor.u32 $0xD0000000, s2;
	s6 =	simm.s32 $0x108;
	_ =	swait.ge @!p0 [sflag:s8], $0x0  }
0x24: {  	s3 =	sadd.s32 $0x88, s3;
	s6 =	simm.s32 @!p1 $0x1082;
	[sflag:s4] =	ssyncset.s32 $0xFFFFF086  }
0x25: {  	[simem:s6], [sflag:s4] =	dma.local [hbm:s3], $0xF7A  }
0x26: {  	[smem:$0x3F9F] =	sst s1;
	(tag) =	ssettag s2;
	_ =	strace s9  }
0x27: {  	s1 =	sld [smem:$0x3FAF]  }
0x28: {  	s2 =	sld [smem:$0x3FB0]  }
0x29: {  	s4 =	sld [smem:$0x3FB2]  }
0x2a: {  	p0 =	seq.s32 s5, $0x0;
	s5 =	sld [smem:$0x3FB3]  }
0x2b: {  	s6 =	sld [smem:$0x3FB4]  }
0x2c: {  	s7 =	sld [smem:$0x3FB5]  }
0x2d: {  	s3 =	simm.s32 $0x108;
	s8 =	sld [smem:$0x3FB6]  }
0x2e: {  	s3 =	simm.s32 @!p0 $0x1082;
	s9 =	sld [smem:$0x3FB7]  }
0x2f: {  	lr =	sadd.s32 s0, s3;
	s0 =	sld [smem:$0x3FAE]  }
0x30: {  	s3 =	sld [smem:$0x3FB1]  }
0x31: {  	[smem:$0x3FBA] =	sst s10  }
0x32: {  	s10 =	sld [smem:$0x3FB8];
	_ =	sdelay $0x3  }
0x33: {  	p0 =	seq.s32 s10, $0x1;
	s10 =	sld [smem:$0x3FBA];
	_ =	sdelay $0x3  }
0x34: {  	[smem:$0x3FBA] =	sst s10  }
0x35: {  	s10 =	sld [smem:$0x3FB9];
	_ =	sdelay $0x3  }
0x36: {  	p1 =	seq.s32 s10, $0x1;
	s10 =	sld [smem:$0x3FBA];
	_ =	sdelay $0x3  }
0x37: {  	[smem:$0x3FBA] =	sst s10  }
0x38: {  	s10 =	sld [smem:$0x3FBB]  }
0x39: {  	_ = 	snop;
	(pc) =	sbr.ind lr, $3  }
0x3a: {  	_ = 	snop  }
0x3b: {  	_ = 	snop  }
0x3c: {  	p2 =	seq.s32 s10, $0x1;
	s10 =	sld [smem:$0x3FBA]  }
0x3d: {  	_ =	shalt  }
0x3e: {  	_ =	shalt  }
0x3f: {  	_ =	shalt  }
0x40: {  	_ =	shalt  }
0x41: {  	_ =	shalt  }
0x42: {  	_ =	shalt  }
0x43: {  	_ =	shalt  }
0x44: {  	_ =	shalt  }
0x45: {  	_ =	shalt  }
0x46: {  	_ =	shalt  }
0x47: {  	_ =	shalt  }
0x48: {  	_ =	shalt  }
0x49: {  	_ =	shalt  }
0x4a: {  	_ =	shalt  }
0x4b: {  	_ =	shalt  }
0x4c: {  	_ =	shalt  }
0x4d: {  	_ =	shalt  }
0x4e: {  	_ =	shalt  }
0x4f: {  	_ =	shalt  }
0x50: {  	_ =	shalt  }
0x51: {  	_ =	shalt  }
0x52: {  	_ =	shalt  }
0x53: {  	_ =	shalt  }
0x54: {  	_ =	shalt  }
0x55: {  	_ =	shalt  }
0x56: {  	_ =	shalt  }
0x57: {  	_ =	shalt  }
0x58: {  	_ =	shalt  }
0x59: {  	_ =	shalt  }
0x5a: {  	_ =	shalt  }
0x5b: {  	_ =	shalt  }
0x5c: {  	_ =	shalt  }
0x5d: {  	_ =	shalt  }
0x5e: {  	_ =	shalt  }
0x5f: {  	_ =	shalt  }
0x60: {  	_ =	shalt  }
0x61: {  	_ =	shalt  }
0x62: {  	_ =	shalt  }
0x63: {  	_ =	shalt  }
0x64: {  	_ =	shalt  }
0x65: {  	_ =	shalt  }
0x66: {  	_ =	shalt  }
0x67: {  	_ =	shalt  }
0x68: {  	_ =	shalt  }
0x69: {  	_ =	shalt  }
0x6a: {  	_ =	shalt  }
0x6b: {  	_ =	shalt  }
0x6c: {  	_ =	shalt  }
0x6d: {  	_ =	shalt  }
0x6e: {  	_ =	shalt  }
0x6f: {  	_ =	shalt  }
0x70: {  	_ =	shalt  }
0x71: {  	_ =	shalt  }
0x72: {  	_ =	shalt  }
0x73: {  	_ =	shalt  }
0x74: {  	_ =	shalt  }
0x75: {  	_ =	shalt  }
0x76: {  	_ =	shalt  }
0x77: {  	_ =	shalt  }
0x78: {  	_ =	shalt  }
0x79: {  	_ =	shalt  }
0x7a: {  	_ =	shalt  }
0x7b: {  	_ =	shalt  }
0x7c: {  	_ =	shalt  }
0x7d: {  	_ =	shalt  }
0x7e: {  	_ =	shalt  }
0x7f: {  	_ =	shalt  }
0x80: {  	_ =	shalt  }
0x81: {  	_ =	shalt  }
0x82: {  	_ =	shalt  }
0x83: {  	_ =	shalt  }
0x84: {  	_ =	shalt  }
0x85: {  	_ =	shalt  }
0x86: {  	_ =	shalt  }
0x87: {  	_ =	shalt  }
.Lfunc_end0:
.L_simem_size_0:
called_computation_lowered:
.L_overlay_start_0:
0x88: {  	s2 =	sld [smem:$0x3FD9]  }
0x89: {  	s3 =	sld [smem:$0x3FFE];
	_ =	sdelay $0x1  }
0x8a: {  	s1 =	srdreg.scid  }
0x8b: {  	s0 =	sand.u32 $0x1, s1  }
0x8c: {  	s14 =	sshll.u32 s0, $0xA;
	s2 =	sadd.s32 s3, s2  }
0x8d: {  	s2 =	sadd.s32 s2, s14  }
0x8e: {  	[smem:$0x3FC6] =	sst s2  }
0x8f: {  	_ = 	snop  }
0x90: {  	s2 =	sld [smem:$0x3FD0];
	_ =	sdelay $0x2  }
0x91: {  	s15 =	simm.s32 $0xA;
	s4 =	simm.s32 $0x10  }
0x92: {  	[smem:s4], [sflag:s15] =	dma.local [hbm:s2], $0x1  }
0x93: {  	_ =	swait.eq [sflag:s15], $0x1  }
0x94: {  	[sflag:s15] =	ssyncset.done $0x0  }
0x95: {  	[sflag:s15] =	ssyncadd.s32 $0xFFFFFFFF  }
0x96: {  	s16 =	sld [smem:$0x10];
	(tm) =	ssettm $0x1  }
0x97: {  	s17 =	sld [smem:$0x3FFB];
	_ =	sdelay $0x3  }
0x98: {  	_ =	strace s17  }
0x99: {  	s3 =	sld [smem:$0x3FFC];
	_ =	sdelay $0x3  }
0x9a: {  	_ =	strace s3  }
0x9b: {  	s3 =	sld [smem:$0x3FFD];
	_ =	sdelay $0x3  }
0x9c: {  	_ =	strace s3  }
0x9d: {  	_ =	strace $0x8FFFFFFF  }
0x9e: {  	s18 =	sld [smem:$0x3FDB];
	_ =	sdelay $0x1  }
0x9f: {  	s19 =	simm.s32 $_scs_section_size  }
0xa0: {  	s5 =	simm.s32 $_size__tile_overlayer_lowered;
	s6 =	simm.s32 $_tile_overlayer_lowered  }
0xa1: {  	s22 =	simm.s32 $0x1BFF;
	s21 =	sshll.u32 s6, $0x1;
	s3 =	sadd.s32 s19, s18  }
0xa2: {  	s7 =	simm.s32 $0x0;
	s20 =	sshll.u32 s5, $0x1;
	s5 =	sadd.s32 s21, s3  }
0xa3: {  	[timem:s7], [sflag:s22] =	dma.local [hbm:s5], s20  }
0xa4: {  	_ =	swait.ge [sflag:s22], s20  }
0xa5: {  	s4 =	ssub.s32 $0x0, s20;
	[sflag:s22] =	ssyncset.done $0x0  }
0xa6: {  	[sflag:s22] =	ssyncadd.s32 s4;
	_ =	sdelay $0x1  }
0xa7: {  	s23 =	simm.s32 $0x1B8B  }
0xa8: {  	_ =	swait.ge [sflag:s23], $0x1  }
0xa9: {  	[sflag:s23] =	ssyncset.done $0x0  }
0xaa: {  	s25 =	simm.s32 $0x1B8E;
	s24 =	sld [smem:$0x3FFE];
	[sflag:s23] =	ssyncadd.s32 $0xFFFFFFFF  }
0xab: {  	s26 =	simm.s32 $execute0_lowered;
	[smem:$0x3FD2] =	sst s25  }
0xac: {  	s5 =	sshll.u32 s26, $0x1;
	_ =	strace $0x80000046;
	[dreg:$0x1] =	wrdreg $0xFFFFFFFF  }
0xad: {  	s28 =	simm.s32 $_size_execute0_lowered;
	s3 =	sadd.s32 s3, s5;
	[dreg:$0x0] =	wrdreg $0x0  }
0xae: {  	s5 =	sshll.u32 s28, $0x1;
	[dreg:$0x2] =	wrdreg s3  }
0xaf: {  	[dreg:$0x3] =	wrdreg s5  }
0xb0: {  	[dreg:$0x4] =	wrdreg $0xC0  }
0xb1: {  	_ =	task [dreg:s7], $0x5FFFF  }
0xb2: {  	[dreg:$0x1] =	wrdreg $0xFFFFFFFF  }
0xb3: {  	[dreg:$0x0] =	wrdreg $0x60  }
0xb4: {  	[dreg:$0x2] =	wrdreg s16  }
0xb5: {  	[dreg:$0x3] =	wrdreg s24  }
0xb6: {  	[dreg:$0x4] =	wrdreg $0x9  }
0xb7: {  	_ =	task.clear_ibuf [dreg:s7], $0x5FFFF;
	_ =	strace $0x90000046  }
0xb8: {  	s29 =	simm.s32 $0x9;
	_ =	strace $0x80000048  }
0xb9: {  	_ =	swait.ge [sflag:s29], $0x1  }
0xba: {  	[sflag:s29] =	ssyncadd.s32 $0xFFFFFFFF  }
0xbb: {  	_ =	strace $0x90000048  }
0xbc: {  	_ =	sfence  }
0xbd: {  	s30 =	sld [smem:$0x0];
	_ =	sdelay $0x2  }
0xbe: {  	s31 =	sshll.u32 s1, $0xD;
	s1 =	sshrl.u32 s1, $0x2  }
0xbf: {  	s3 =	sand.u32 $0x4000, s31;
	s1 =	sadd.s32 s1, s30  }
0xc0: {  	s0 =	sor.u32 s3, s0;
	s1 =	sshll.u32 s1, $0x11  }
0xc1: {  	s0 =	sor.u32 s1, s0  }
0xc2: {  	s0 =	sadd.s32 $0x8F2B, s0  }
0xc3: {  	[sflag:s0] =	ssyncadd.remote.s32 $0x1  }
0xc4: {  	_ =	sfence.sel $0xFFFF  }
0xc5: {  	[dreg:$0x0] =	wrdreg $0xFFFFFFFF;
	(pc) =	sbr.abs _section_cstart, $3  }
0xc6: {  	[dreg:$0x1] =	wrdreg $0xFFFFFFFF  }
0xc7: {  	_ =	task.clear_ibuf [dreg:s7], $0x2FFFF;
	_ =	strace $0x9FFFFFFF  }
0xc8: {  	(tm) =	ssettm $0x7FFFFFFF  }
0xc9: {  	_ =	shalt  }
tec
execute0_lowered:
.L_overlay_start_1:
0x0: {  	(tag) =	ssettag $0x1  }
0x1: {  	s2 =	rddreg [dreg:$0x0];
	s1 =	srdreg.scid  }
0x2: {  	s0 =	stileid.u32;
	s4 =	rddreg [dreg:$0x1]  }
0x3: {  	s3 =	simm.s32 $0x0;
	s10 =	simm.s32 $0x100;
	s11 =	simm.s32 $0x2100  }
0x4: {  	s12 =	simm.s32 $0x1;
	s13 =	simm.s32 $0x4100;
	s14 =	simm.s32 $0x0  }
0x5: {  	s5 =	sand.u32 $0x1, s1;
	s6 =	sshll.u32 s0, $0x1;
	[smem:$0x7FF] =	sst s3  }
0x6: {  	s1 =	rddreg [dreg:$0x2];
	s6 =	sor.u32 s5, s6;
	_ =	strace $0x80000047  }
0x7: {  	s5 =	ssub.s32 $0x2, s5;
	s7 =	sshll.u32 s6, $0x5;
	s8 =	sshll.u32 s6, $0xB  }
0x8: {  	s6 =	sshll.u32 s6, $0xA;
	s31 =	sshrl.u32 s5, $0x1;
	s7 =	sadd.s32 s7, s4  }
0x9: {  	s8 =	sadd.s32 s8, s4;
	s6 =	sadd.s32 s6, s4;
	s9 =	ssub.s32 s5, s31  }
0xa: {  	s4 =	sadd.s32 $0x200, s7;
	s5 =	sadd.s32 $0x600, s8;
	s6 =	sadd.s32 $0x10600, s6  }
0xb: {  	v0 =	vimm.f32 $0.0e+00;
	v1 =	vimm.f32 $1.000000000e+00;
	s7 =	smax.u32 s9, $0x1;
	s8 =	simm.s32 $0x2;
	s9 =	simm.s32 $0x80  }
.LBB2_1:
0xc: {  	[tilespmem:s3], [sflag:$0x2] =	stream.linear.gather [hbm4b:s4+s3], $0x100, $0x38;
	[tilespmem:$0x6100] =	vst v63  }
0xd: {  	_ =	swait.ge [sflag:s8], $0x100  }
0xe: {  	[sflag:s8] =	ssyncset.done $0x0  }
0xf: {  	[sflag:s8] =	ssyncadd.s32 $0xFFFFFF00  }
0x10: {  	[tilespmem:s10], [sflag:$0x1] =	stream.indirect.gather [hbm4b:s2+s9], $0x40, s3, s9, $0xb8;
	[tilespmem:$0x6100] =	vst v63  }
0x11: {  	_ = 	snop  }
0x12: {  	[tilespmem:s11], [sflag:$0x1] =	stream.indirect.gather [hbm4b:s2+s9], $0x40, s9, s9, $0xb8;
	[tilespmem:$0x6100] =	vst v63  }
0x13: {  	_ =	swait.ge [sflag:s12], $0x2000  }
0x14: {  	[sflag:s12] =	ssyncset.done $0x0  }
0x15: {  	[sflag:s12] =	ssyncadd.s32 $0xFFFFE000  }
0x16: {  	_ =	swait.ge [sflag:s12], $0x2000  }
0x17: {  	[sflag:s12] =	ssyncset.done $0x0  }
0x18: {  	[sflag:s12] =	ssyncadd.s32 $0xFFFFE000  }
0x19: {  	[hbm4b:s5+s3] =	stream.linear.scatter [tilespmem:s10], [sflag:$0x2], $0x4000, $0x38;
	[tilespmem:$0x6100] =	vst v63  }
0x1a: {  	_ =	swait.ge [sflag:s8], $0x4000  }
0x1b: {  	[sflag:s8] =	ssyncset.done $0x0  }
0x1c: {  	s15 =	simm.s32 $0x40;
	s16 =	simm.s32 $0x0;
	[sflag:s8] =	ssyncadd.s32 $0xFFFFC000  }
.LBB2_2:
0x1d: {  	p0 =	sne.s32 s15, $0x7FC0;
	[tilespmem:s16+$0x4100] =	vst v0;
	s16 =	smov.u32 s15;
	s15 =	sadd.s32 $0x40, s15  }
.Ltmp0:
0x1e: {  	(pc) =	sbr.rel @p0 .LBB2_2-.Ltmp0, $2  }
0x1f: {  	_ =	sdelay $0x2  }
0x20: {  	s16 =	sshra.s32 s16, $0x2  }
0x21: {  	[tilespmem:s16+$0x4100] =	vst v0  }
0x22: {  	v2 =	vld [tilespmem:$0x0];
	_ =	sdelay $0x7  }
0x23: {  	[tilespmem:v2+s13+$0x0] =	vst.idx.add.f32.msk $0xffff, v1  }
0x24: {  	v2 =	vld [tilespmem:$0x10];
	_ =	sdelay $0x7  }
0x25: {  	[tilespmem:v2+s13+$0x0] =	vst.idx.add.f32.msk $0xffff, v1  }
0x26: {  	v2 =	vld [tilespmem:$0x20];
	_ =	sdelay $0x7  }
0x27: {  	[tilespmem:v2+s13+$0x0] =	vst.idx.add.f32.msk $0xffff, v1  }
0x28: {  	v2 =	vld [tilespmem:$0x30];
	_ =	sdelay $0x7  }
0x29: {  	[tilespmem:v2+s13+$0x0] =	vst.idx.add.f32.msk $0xffff, v1  }
0x2a: {  	v2 =	vld [tilespmem:$0x40];
	_ =	sdelay $0x7  }
0x2b: {  	[tilespmem:v2+s13+$0x0] =	vst.idx.add.f32.msk $0xffff, v1  }
0x2c: {  	v2 =	vld [tilespmem:$0x50];
	_ =	sdelay $0x7  }
0x2d: {  	[tilespmem:v2+s13+$0x0] =	vst.idx.add.f32.msk $0xffff, v1  }
0x2e: {  	v2 =	vld [tilespmem:$0x60];
	_ =	sdelay $0x7  }
0x2f: {  	[tilespmem:v2+s13+$0x0] =	vst.idx.add.f32.msk $0xffff, v1  }
0x30: {  	v2 =	vld [tilespmem:$0x70];
	_ =	sdelay $0x7  }
0x31: {  	[tilespmem:v2+s13+$0x0] =	vst.idx.add.f32.msk $0xffff, v1  }
0x32: {  	v2 =	vld [tilespmem:$0x80];
	_ =	sdelay $0x7  }
0x33: {  	[tilespmem:v2+s13+$0x0] =	vst.idx.add.f32.msk $0xffff, v1  }
0x34: {  	v2 =	vld [tilespmem:$0x90];
	_ =	sdelay $0x7  }
0x35: {  	[tilespmem:v2+s13+$0x0] =	vst.idx.add.f32.msk $0xffff, v1  }
0x36: {  	v2 =	vld [tilespmem:$0xA0];
	_ =	sdelay $0x7  }
0x37: {  	[tilespmem:v2+s13+$0x0] =	vst.idx.add.f32.msk $0xffff, v1  }
0x38: {  	v2 =	vld [tilespmem:$0xB0];
	_ =	sdelay $0x7  }
0x39: {  	[tilespmem:v2+s13+$0x0] =	vst.idx.add.f32.msk $0xffff, v1  }
0x3a: {  	v2 =	vld [tilespmem:$0xC0];
	_ =	sdelay $0x7  }
0x3b: {  	[tilespmem:v2+s13+$0x0] =	vst.idx.add.f32.msk $0xffff, v1  }
0x3c: {  	v2 =	vld [tilespmem:$0xD0];
	_ =	sdelay $0x7  }
0x3d: {  	[tilespmem:v2+s13+$0x0] =	vst.idx.add.f32.msk $0xffff, v1  }
0x3e: {  	v2 =	vld [tilespmem:$0xE0];
	_ =	sdelay $0x7  }
0x3f: {  	[tilespmem:v2+s13+$0x0] =	vst.idx.add.f32.msk $0xffff, v1  }
0x40: {  	v2 =	vld [tilespmem:$0xF0];
	_ =	sdelay $0x5  }
0x41: {  	s14 =	sadd.s32 $0x1, s14  }
0x42: {  	p0 =	sne.s32 s14, s7  }
.Ltmp1:
0x43: {  	[tilespmem:v2+s13+$0x0] =	vst.idx.add.f32.msk $0xffff, v1;
	(pc) =	sbr.rel @p0 .LBB2_1-.Ltmp1, $4  }
0x44: {  	[hbm4b:s6+s3] =	stream.linear.scatter [tilespmem:s13], [sflag:$0x2], $0x2000, $0x38;
	[tilespmem:$0x6100] =	vst v63  }
0x45: {  	_ =	swait.ge [sflag:s8], $0x2000  }
0x46: {  	[sflag:s8] =	ssyncset.done $0x0  }
0x47: {  	[sflag:s8] =	ssyncadd.s32 $0xFFFFE000  }
0x48: {  	_ =	sfence.sel $0x180000  }
0x49: {  	[bflag:$0x0] =	sbarrier.arrive $0xFFFF  }
0x4a: {  	p0 =	sne.s32 s0, $0x0;
	_ =	strace $0x90000047  }
0x4b: {  	s0 =	sadd.s32 @!p0 $0x100000, s1;
	[bflag:$0x2] =	sbarrier.arrive $0xFFFF  }
0x4c: {  	[sflag:s0] =	ssyncadd.tile.s32 @!p0 $0x1;
	_ =	shalt  }
.Lfunc_end2:
_tile_overlayer_lowered:
.L_overlay_start_2:
0x4d: {  	(tag) =	ssettag $0x2  }
0x4e: {  	s0 =	rddreg [dreg:$0x0];
	s2 =	stileid.u32  }
0x4f: {  	s1 =	rddreg [dreg:$0x1];
	p0 =	sne.s32 s2, $0x0  }
0x50: {  	s3 =	rddreg [dreg:$0x2];
	[bflag:$0x3] =	sbarrier.arrive $0xFFFF;
	s2 =	simm.s32 @!p0 $0x1C02  }
0x51: {  	[timem:s3], [sflag:s2] =	dma.local @!p0 [hbm:s0], s1  }
0x52: {  	s0 =	simm.s32 @!p0 $0x2  }
0x53: {  	_ =	swait.ge @!p0 [sflag:s0], s1  }
0x54: {  	s1 =	ssub.s32 @!p0 $0x0, s1;
	[sflag:s0] =	ssyncset.done @!p0 $0x0  }
0x55: {  	[sflag:s0] =	ssyncadd.s32 @!p0 s1  }
0x56: {  	[bflag:$0x3] =	sbarrier.arrive $0xFFFF  }
0x57: {  	_ =	shalt  }

</sc_bundles>
